<compile_context>
chip_gen: v7x
topology: tpu7x:2x2x1
jax: 0.10.2.dev20260603
libtpu: 0.0.44.dev20260713+nightly
codegen_flags: <defaults>
</compile_context>

<pallas_src>
import functools

import jax
import jax.numpy as jnp
from jax import lax
from jax.experimental import pallas as pl
from jax.experimental.pallas import tpu as pltpu
from jax.experimental.pallas import tpu_sc as plsc

NBASIS = 1000000
NUNIQ = 65536

_NC = 2
_NS = 16
_NW = _NC * _NS
_LANES = 16

_FULL = 31264
_TAIL = NBASIS - (_NW - 1) * _FULL
_LO = 40960
_C0 = 15408

_mesh = plsc.VectorSubcoreMesh(core_axis_name="c", subcore_axis_name="s")


@functools.partial(
    pl.kernel,
    mesh=_mesh,
    out_type=jax.ShapeDtypeStruct((NBASIS,), jnp.float32),
    scratch_types=[
        pltpu.VMEM((NUNIQ,), jnp.float32),
        pltpu.VMEM((_FULL,), jnp.int32),
        pltpu.VMEM((_FULL,), jnp.float32),
        pltpu.VMEM((_LANES,), jnp.float32),
        pltpu.VMEM_SHARED((_LO,), jnp.float32),
        pltpu.SemaphoreType.DMA,
        pltpu.SemaphoreType.DMA,
        pltpu.SemaphoreType.DMA,
        pltpu.SemaphoreType.DMA,
    ],
    compiler_params=pltpu.CompilerParams(needs_layout_passes=False),
)
def _sc_gather(ke_hbm, idx_hbm, step_hbm, out_hbm,
               tab_v, idx_v, out_v, step_v, tab_lo_sh,
               sem_tab, sem_in, sem_out, sem_stage):
    c = lax.axis_index("c")
    s = lax.axis_index("s")
    wid = s * _NC + c
    base = wid * _FULL

    in0_cp = pltpu.async_copy(
        idx_hbm.at[pl.ds(base, _C0)], idx_v.at[pl.ds(0, _C0)], sem_in
    )

    @pl.when(s == 0)
    def _():
        pltpu.async_copy(ke_hbm.at[pl.ds(0, _LO)], tab_lo_sh, sem_stage).wait()

    tab_cp = pltpu.async_copy(
        ke_hbm.at[pl.ds(_LO, NUNIQ - _LO)],
        tab_v.at[pl.ds(_LO, NUNIQ - _LO)],
        sem_tab,
    )
    pltpu.sync_copy(step_hbm, step_v)
    plsc.subcore_barrier()
    pltpu.sync_copy(tab_lo_sh, tab_v.at[pl.ds(0, _LO)])

    def work(n):
        sizes = (_C0, n - _C0)
        offs = (0, _C0)
        in_cps = [
            in0_cp,
            pltpu.async_copy(
                idx_hbm.at[pl.ds(base + _C0, n - _C0)],
                idx_v.at[pl.ds(_C0, n - _C0)],
                sem_in,
            ),
        ]
        tab_cp.wait()
        sv = step_v[...]
        out_cps = []
        for k in range(2):
            in_cps[k].wait()
            o = offs[k]

            @plsc.parallel_loop(0, sizes[k] // _LANES, unroll=8)
            def body(i, o=o):
                off = pl.multiple_of(o + i * _LANES, _LANES)
                iv = idx_v[pl.ds(off, _LANES)]
                out_v[pl.ds(off, _LANES)] = plsc.load_gather(tab_v, [iv]) * sv

            out_cps.append(
                pltpu.async_copy(
                    out_v.at[pl.ds(o, sizes[k])],
                    out_hbm.at[pl.ds(base + o, sizes[k])],
                    sem_out,
                )
            )
        for cp in out_cps:
            cp.wait()

    @pl.when(wid != _NW - 1)
    def _():
        work(_FULL)

    @pl.when(wid == _NW - 1)
    def _():
        work(_TAIL)


def kernel(ke, ke_invidx, step):
    idx = ke_invidx.astype(jnp.int32)
    step_vec = jnp.full((_LANES,), step, dtype=jnp.float32)
    return _sc_gather(ke, idx, step_vec)

# --- scband reference (transcript-rebuilt; emitter-appended) ---
"""Pipeline reference for scband-one-body-pw-46445776339423 (READ-ONLY COPY).

The authoritative reference and input builder live on the scoring server;
editing this copy changes nothing except your own understanding.
"""

import jax, jax.numpy as jnp
import numpy as np

NBASIS = 1000000
NUNIQ = 65536

def setup_inputs(seed: int = 0) -> dict:
    key = jax.random.key(seed)
    k1, k2, k3 = jax.random.split(key, 3)
    # Learned parameter: unique kinetic energies (raw_ke after jnp.unique in setup();
    # with k_symmetric=True the module stores only the unique values).
    ke = jax.random.normal(k1, (NUNIQ,), dtype=jnp.float32)
    # Inverse index from jnp.unique(init_ke, return_inverse=True): maps each of the
    # nbasis plane waves back to its unique |k|^2 value. Precomputed at module setup.
    ke_invidx = jax.random.randint(k2, (NBASIS,), 0, NUNIQ).astype(jnp.int64)
    # Propagation (time) step scalar.
    step = jax.random.uniform(k3, (), dtype=jnp.float32)
    return {"ke": ke, "ke_invidx": ke_invidx, "step": step}

def reference(ke, ke_invidx, step):
    # __call__: with parametrize=True and k_symmetric=True,
    #   ke = self.ke[self.ke_invidx]   (embedding-style gather)
    #   ke = cmult(step, ke)           (elementwise scalar multiply; real dtype here)
    ke_full = jnp.take(ke, ke_invidx, axis=0)
    out = step * ke_full
    return out

if __name__ == "__main__":
    import jax
    _d = setup_inputs()
    print(jax.jit(kernel)(*tuple(_d.values())))

</pallas_src>

<mosaic_0001>
#map = affine_map<(d0, d1) -> (0)>
module attributes {stable_mosaic.version = 14 : i64} {
  func.func @_sc_gather(%arg0: i32, %arg1: i32, %arg2: memref<65536xf32, #tpu.memory_space<hbm>>, %arg3: memref<1000000xi32, #tpu.memory_space<hbm>>, %arg4: memref<16xf32, #tpu.memory_space<hbm>>, %arg5: memref<1000000xf32, #tpu.memory_space<hbm>>, %arg6: memref<65536xf32, #tpu.memory_space<vmem>>, %arg7: memref<31264xi32, #tpu.memory_space<vmem>>, %arg8: memref<31264xf32, #tpu.memory_space<vmem>>, %arg9: memref<16xf32, #tpu.memory_space<vmem>>, %arg10: memref<40960xf32, #tpu.memory_space<vmem_shared>>, %arg11: memref<!tpu.dma_semaphore, #tpu.memory_space<semaphore_mem>>, %arg12: memref<!tpu.dma_semaphore, #tpu.memory_space<semaphore_mem>>, %arg13: memref<!tpu.dma_semaphore, #tpu.memory_space<semaphore_mem>>, %arg14: memref<!tpu.dma_semaphore, #tpu.memory_space<semaphore_mem>>) attributes {dimension_semantics = [#tpu.dimension_semantics<core_parallel>, #tpu.dimension_semantics<subcore_parallel>], iteration_bounds = array<i64: 2, 16>, scalar_prefetch = 0 : i64, scratch_operands = 9 : i64, tpu.core_type = #tpu.core_type<sc_vector_subcore>, window_params = [{transform_indices = #map}, {transform_indices = #map}, {transform_indices = #map}, {transform_indices = #map}]} {
    %mul3A = arith.constant 2 : i32
    %mul3A_0 = arith.muli %arg1, %mul3A : i32
    %add3A = arith.addi %mul3A_0, %arg0 : i32
    %mul3A_1 = arith.constant 31264 : i32
    %mul3A_2 = arith.muli %add3A, %mul3A_1 : i32
    %dma_start3A = arith.constant 0 : i32
    %dma_start3A_3 = tpu.memref_slice %arg7[%dma_start3A] : memref<31264xi32, #tpu.memory_space<vmem>> -> memref<15408xi32, #tpu.memory_space<vmem>>
    %dma_start3A_4 = tpu.memref_slice %arg3[%mul3A_2] : memref<1000000xi32, #tpu.memory_space<hbm>> -> memref<15408xi32, #tpu.memory_space<hbm>>
    %dma_start3A_5 = arith.constant 0 : i32
    %dma_start3A_6 = tpu.memref_slice %arg7[%dma_start3A_5] : memref<31264xi32, #tpu.memory_space<vmem>> -> memref<15408xi32, #tpu.memory_space<vmem>>
    %dma_start3A_7 = tpu.memref_slice %arg3[%mul3A_2] : memref<1000000xi32, #tpu.memory_space<hbm>> -> memref<15408xi32, #tpu.memory_space<hbm>>
    tpu.enqueue_dma source(%dma_start3A_7 : memref<15408xi32, #tpu.memory_space<hbm>>) target(%dma_start3A_6 : memref<15408xi32, #tpu.memory_space<vmem>>) target_semaphore(%arg12 : memref<!tpu.dma_semaphore, #tpu.memory_space<semaphore_mem>>)
    %eq3A = arith.constant 0 : i32
    %eq3A_8 = arith.cmpi eq, %arg1, %eq3A : i32
    %convert_element_type3A = arith.extui %eq3A_8 : i1 to i32
    %cond3A = arith.constant 0 : i32
    %cond3A_9 = arith.cmpi ne, %convert_element_type3A, %cond3A : i32
    scf.if %cond3A_9 {
      %dma_start3A_27 = arith.constant 0 : i32
      %dma_start3A_28 = tpu.memref_slice %arg2[%dma_start3A_27] : memref<65536xf32, #tpu.memory_space<hbm>> -> memref<40960xf32, #tpu.memory_space<hbm>>
      tpu.enqueue_dma source(%dma_start3A_28 : memref<40960xf32, #tpu.memory_space<hbm>>) target(%arg10 : memref<40960xf32, #tpu.memory_space<vmem_shared>>) target_semaphore(%arg14 : memref<!tpu.dma_semaphore, #tpu.memory_space<semaphore_mem>>)
      %dma_wait3A = arith.constant 0 : i32
      %dma_wait3A_29 = tpu.memref_slice %arg2[%dma_wait3A] : memref<65536xf32, #tpu.memory_space<hbm>> -> memref<40960xf32, #tpu.memory_space<hbm>>
      tpu.wait_dma2 semaphore(%arg14 : memref<!tpu.dma_semaphore, #tpu.memory_space<semaphore_mem>>) src(%dma_wait3A_29 : memref<40960xf32, #tpu.memory_space<hbm>>) dst(%arg10 : memref<40960xf32, #tpu.memory_space<vmem_shared>>)
    } else {
    }
    %dma_start3A_10 = arith.constant 40960 : i32
    %dma_start3A_11 = tpu.memref_slice %arg6[%dma_start3A_10] : memref<65536xf32, #tpu.memory_space<vmem>> -> memref<24576xf32, #tpu.memory_space<vmem>>
    %dma_start3A_12 = arith.constant 40960 : i32
    %dma_start3A_13 = tpu.memref_slice %arg2[%dma_start3A_12] : memref<65536xf32, #tpu.memory_space<hbm>> -> memref<24576xf32, #tpu.memory_space<hbm>>
    %dma_start3A_14 = arith.constant 40960 : i32
    %dma_start3A_15 = tpu.memref_slice %arg6[%dma_start3A_14] : memref<65536xf32, #tpu.memory_space<vmem>> -> memref<24576xf32, #tpu.memory_space<vmem>>
    %dma_start3A_16 = arith.constant 40960 : i32
    %dma_start3A_17 = tpu.memref_slice %arg2[%dma_start3A_16] : memref<65536xf32, #tpu.memory_space<hbm>> -> memref<24576xf32, #tpu.memory_space<hbm>>
    tpu.enqueue_dma source(%dma_start3A_17 : memref<24576xf32, #tpu.memory_space<hbm>>) target(%dma_start3A_15 : memref<24576xf32, #tpu.memory_space<vmem>>) target_semaphore(%arg11 : memref<!tpu.dma_semaphore, #tpu.memory_space<semaphore_mem>>)
    "tpu.region"() ({
      %run_scoped3A = tpu.sem_alloc : memref<!tpu.dma_semaphore, #tpu.memory_space<semaphore_mem>>
      tpu.enqueue_dma source(%arg4 : memref<16xf32, #tpu.memory_space<hbm>>) target(%arg9 : memref<16xf32, #tpu.memory_space<vmem>>) target_semaphore(%run_scoped3A : memref<!tpu.dma_semaphore, #tpu.memory_space<semaphore_mem>>)
      tpu.wait_dma2 semaphore(%run_scoped3A : memref<!tpu.dma_semaphore, #tpu.memory_space<semaphore_mem>>) src(%arg4 : memref<16xf32, #tpu.memory_space<hbm>>) dst(%arg9 : memref<16xf32, #tpu.memory_space<vmem>>)
      tpu.yield
    }) : () -> ()
    %barrier3A = arith.constant 0 : index
    tpu.barrier barrier_id(%barrier3A)
    "tpu.region"() ({
      %run_scoped3A = tpu.sem_alloc : memref<!tpu.dma_semaphore, #tpu.memory_space<semaphore_mem>>
      %dma_start3A_27 = arith.constant 0 : i32
      %dma_start3A_28 = tpu.memref_slice %arg6[%dma_start3A_27] : memref<65536xf32, #tpu.memory_space<vmem>> -> memref<40960xf32, #tpu.memory_space<vmem>>
      %dma_start3A_29 = arith.constant 0 : i32
      %dma_start3A_30 = tpu.memref_slice %arg6[%dma_start3A_29] : memref<65536xf32, #tpu.memory_space<vmem>> -> memref<40960xf32, #tpu.memory_space<vmem>>
      tpu.enqueue_dma source(%arg10 : memref<40960xf32, #tpu.memory_space<vmem_shared>>) target(%dma_start3A_30 : memref<40960xf32, #tpu.memory_space<vmem>>) target_semaphore(%run_scoped3A : memref<!tpu.dma_semaphore, #tpu.memory_space<semaphore_mem>>)
      %dma_wait3A = arith.constant 0 : i32
      %dma_wait3A_31 = tpu.memref_slice %arg6[%dma_wait3A] : memref<65536xf32, #tpu.memory_space<vmem>> -> memref<40960xf32, #tpu.memory_space<vmem>>
      %dma_wait3A_32 = arith.constant 0 : i32
      %dma_wait3A_33 = tpu.memref_slice %arg6[%dma_wait3A_32] : memref<65536xf32, #tpu.memory_space<vmem>> -> memref<40960xf32, #tpu.memory_space<vmem>>
      tpu.wait_dma2 semaphore(%run_scoped3A : memref<!tpu.dma_semaphore, #tpu.memory_space<semaphore_mem>>) src(%arg10 : memref<40960xf32, #tpu.memory_space<vmem_shared>>) dst(%dma_wait3A_33 : memref<40960xf32, #tpu.memory_space<vmem>>)
      tpu.yield
    }) : () -> ()
    %ne3A = arith.constant 31 : i32
    %ne3A_18 = arith.cmpi ne, %add3A, %ne3A : i32
    %convert_element_type3A_19 = arith.extui %ne3A_18 : i1 to i32
    %cond3A_20 = arith.constant 0 : i32
    %cond3A_21 = arith.cmpi ne, %convert_element_type3A_19, %cond3A_20 : i32
    scf.if %cond3A_21 {
      %add3A_27 = arith.constant 15408 : i32
      %add3A_28 = arith.addi %mul3A_2, %add3A_27 : i32
      %dma_start3A_29 = arith.constant 15408 : i32
      %dma_start3A_30 = tpu.memref_slice %arg7[%dma_start3A_29] : memref<31264xi32, #tpu.memory_space<vmem>> -> memref<15856xi32, #tpu.memory_space<vmem>>
      %dma_start3A_31 = tpu.memref_slice %arg3[%add3A_28] : memref<1000000xi32, #tpu.memory_space<hbm>> -> memref<15856xi32, #tpu.memory_space<hbm>>
      %dma_start3A_32 = arith.constant 15408 : i32
      %dma_start3A_33 = tpu.memref_slice %arg7[%dma_start3A_32] : memref<31264xi32, #tpu.memory_space<vmem>> -> memref<15856xi32, #tpu.memory_space<vmem>>
      %dma_start3A_34 = tpu.memref_slice %arg3[%add3A_28] : memref<1000000xi32, #tpu.memory_space<hbm>> -> memref<15856xi32, #tpu.memory_space<hbm>>
      tpu.enqueue_dma source(%dma_start3A_34 : memref<15856xi32, #tpu.memory_space<hbm>>) target(%dma_start3A_33 : memref<15856xi32, #tpu.memory_space<vmem>>) target_semaphore(%arg12 : memref<!tpu.dma_semaphore, #tpu.memory_space<semaphore_mem>>)
      %dma_wait3A = arith.constant 40960 : i32
      %dma_wait3A_35 = tpu.memref_slice %arg6[%dma_wait3A] : memref<65536xf32, #tpu.memory_space<vmem>> -> memref<24576xf32, #tpu.memory_space<vmem>>
      %dma_wait3A_36 = arith.constant 40960 : i32
      %dma_wait3A_37 = tpu.memref_slice %arg2[%dma_wait3A_36] : memref<65536xf32, #tpu.memory_space<hbm>> -> memref<24576xf32, #tpu.memory_space<hbm>>
      %dma_wait3A_38 = arith.constant 40960 : i32
      %dma_wait3A_39 = tpu.memref_slice %arg6[%dma_wait3A_38] : memref<65536xf32, #tpu.memory_space<vmem>> -> memref<24576xf32, #tpu.memory_space<vmem>>
      %dma_wait3A_40 = arith.constant 40960 : i32
      %dma_wait3A_41 = tpu.memref_slice %arg2[%dma_wait3A_40] : memref<65536xf32, #tpu.memory_space<hbm>> -> memref<24576xf32, #tpu.memory_space<hbm>>
      tpu.wait_dma2 semaphore(%arg11 : memref<!tpu.dma_semaphore, #tpu.memory_space<semaphore_mem>>) src(%dma_wait3A_41 : memref<24576xf32, #tpu.memory_space<hbm>>) dst(%dma_wait3A_39 : memref<24576xf32, #tpu.memory_space<vmem>>)
      %get3A = arith.constant 0 : index
      %get3A_42 = tpu.vector_load %arg9[%get3A] {strides = array<i32>} : memref<16xf32, #tpu.memory_space<vmem>>, vector<16xf32>,
      %dma_wait3A_43 = arith.constant 0 : i32
      %dma_wait3A_44 = tpu.memref_slice %arg7[%dma_wait3A_43] : memref<31264xi32, #tpu.memory_space<vmem>> -> memref<15408xi32, #tpu.memory_space<vmem>>
      %dma_wait3A_45 = tpu.memref_slice %arg3[%mul3A_2] : memref<1000000xi32, #tpu.memory_space<hbm>> -> memref<15408xi32, #tpu.memory_space<hbm>>
      %dma_wait3A_46 = arith.constant 0 : i32
      %dma_wait3A_47 = tpu.memref_slice %arg7[%dma_wait3A_46] : memref<31264xi32, #tpu.memory_space<vmem>> -> memref<15408xi32, #tpu.memory_space<vmem>>
      %dma_wait3A_48 = tpu.memref_slice %arg3[%mul3A_2] : memref<1000000xi32, #tpu.memory_space<hbm>> -> memref<15408xi32, #tpu.memory_space<hbm>>
      tpu.wait_dma2 semaphore(%arg12 : memref<!tpu.dma_semaphore, #tpu.memory_space<semaphore_mem>>) src(%dma_wait3A_48 : memref<15408xi32, #tpu.memory_space<hbm>>) dst(%dma_wait3A_47 : memref<15408xi32, #tpu.memory_space<vmem>>)
      %parallel_loop3A = arith.constant 0 : i32
      %parallel_loop3A_49 = arith.constant 963 : i32
      %parallel_loop3A_50 = arith.constant 1 : i32
      scf.for %parallel_loop3A_88 = %parallel_loop3A to %parallel_loop3A_49 step %parallel_loop3A_50  : i32 {
        %parallel_loop3A_89 = arith.constant 16 : i32
        %parallel_loop3A_90 = arith.muli %parallel_loop3A_88, %parallel_loop3A_89 : i32
        %parallel_loop3A_91 = arith.constant 0 : i32
        %parallel_loop3A_92 = arith.addi %parallel_loop3A_91, %parallel_loop3A_90 : i32
        %parallel_loop3A_93 = tpu.assume_multiple %parallel_loop3A_92, 16 : i32
        %parallel_loop3A_94 = arith.index_cast %parallel_loop3A_93 : i32 to index
        %parallel_loop3A_95 = tpu.vector_load %arg7[%parallel_loop3A_94] {strides = array<i32>} : memref<31264xi32, #tpu.memory_space<vmem>>, vector<16xi32>,
        %parallel_loop3A_96 = tpu.vector_load_idx %arg6[%parallel_loop3A_95] : memref<65536xf32, #tpu.memory_space<vmem>>[vector<16xi32>], vector<16xf32>,
        %parallel_loop3A_97 = arith.mulf %parallel_loop3A_96, %get3A_42 : vector<16xf32>
        %parallel_loop3A_98 = arith.index_cast %parallel_loop3A_93 : i32 to index
        %parallel_loop3A_99 = tpu.vector_load %arg8[%parallel_loop3A_98] {strides = array<i32>} : memref<31264xf32, #tpu.memory_space<vmem>>, vector<16xf32>,
        tpu.vector_store %arg8[%parallel_loop3A_98], %parallel_loop3A_97 {strides = array<i32>} : memref<31264xf32, #tpu.memory_space<vmem>>, vector<16xf32>,
      } {sc.loop_unroll_factor = 8 : i64, sc.parallel_access}
      %add3A_51 = arith.constant 0 : i32
      %add3A_52 = arith.addi %mul3A_2, %add3A_51 : i32
      %dma_start3A_53 = arith.constant 0 : i32
      %dma_start3A_54 = tpu.memref_slice %arg8[%dma_start3A_53] : memref<31264xf32, #tpu.memory_space<vmem>> -> memref<15408xf32, #tpu.memory_space<vmem>>
      %dma_start3A_55 = tpu.memref_slice %arg5[%add3A_52] : memref<1000000xf32, #tpu.memory_space<hbm>> -> memref<15408xf32, #tpu.memory_space<hbm>>
      %dma_start3A_56 = tpu.memref_slice %arg5[%add3A_52] : memref<1000000xf32, #tpu.memory_space<hbm>> -> memref<15408xf32, #tpu.memory_space<hbm>>
      %dma_start3A_57 = arith.constant 0 : i32
      %dma_start3A_58 = tpu.memref_slice %arg8[%dma_start3A_57] : memref<31264xf32, #tpu.memory_space<vmem>> -> memref<15408xf32, #tpu.memory_space<vmem>>
      tpu.enqueue_dma source(%dma_start3A_58 : memref<15408xf32, #tpu.memory_space<vmem>>) target(%dma_start3A_56 : memref<15408xf32, #tpu.memory_space<hbm>>) target_semaphore(%arg13 : memref<!tpu.dma_semaphore, #tpu.memory_space<semaphore_mem>>)
      %dma_wait3A_59 = arith.constant 15408 : i32
      %dma_wait3A_60 = tpu.memref_slice %arg7[%dma_wait3A_59] : memref<31264xi32, #tpu.memory_space<vmem>> -> memref<15856xi32, #tpu.memory_space<vmem>>
      %dma_wait3A_61 = tpu.memref_slice %arg3[%add3A_28] : memref<1000000xi32, #tpu.memory_space<hbm>> -> memref<15856xi32, #tpu.memory_space<hbm>>
      %dma_wait3A_62 = arith.constant 15408 : i32
      %dma_wait3A_63 = tpu.memref_slice %arg7[%dma_wait3A_62] : memref<31264xi32, #tpu.memory_space<vmem>> -> memref<15856xi32, #tpu.memory_space<vmem>>
      %dma_wait3A_64 = tpu.memref_slice %arg3[%add3A_28] : memref<1000000xi32, #tpu.memory_space<hbm>> -> memref<15856xi32, #tpu.memory_space<hbm>>
      tpu.wait_dma2 semaphore(%arg12 : memref<!tpu.dma_semaphore, #tpu.memory_space<semaphore_mem>>) src(%dma_wait3A_64 : memref<15856xi32, #tpu.memory_space<hbm>>) dst(%dma_wait3A_63 : memref<15856xi32, #tpu.memory_space<vmem>>)
      %parallel_loop3A_65 = arith.constant 0 : i32
      %parallel_loop3A_66 = arith.constant 991 : i32
      %parallel_loop3A_67 = arith.constant 1 : i32
      scf.for %parallel_loop3A_88 = %parallel_loop3A_65 to %parallel_loop3A_66 step %parallel_loop3A_67  : i32 {
        %parallel_loop3A_89 = arith.constant 16 : i32
        %parallel_loop3A_90 = arith.muli %parallel_loop3A_88, %parallel_loop3A_89 : i32
        %parallel_loop3A_91 = arith.constant 15408 : i32
        %parallel_loop3A_92 = arith.addi %parallel_loop3A_91, %parallel_loop3A_90 : i32
        %parallel_loop3A_93 = tpu.assume_multiple %parallel_loop3A_92, 16 : i32
        %parallel_loop3A_94 = arith.index_cast %parallel_loop3A_93 : i32 to index
        %parallel_loop3A_95 = tpu.vector_load %arg7[%parallel_loop3A_94] {strides = array<i32>} : memref<31264xi32, #tpu.memory_space<vmem>>, vector<16xi32>,
        %parallel_loop3A_96 = tpu.vector_load_idx %arg6[%parallel_loop3A_95] : memref<65536xf32, #tpu.memory_space<vmem>>[vector<16xi32>], vector<16xf32>,
        %parallel_loop3A_97 = arith.mulf %parallel_loop3A_96, %get3A_42 : vector<16xf32>
        %parallel_loop3A_98 = arith.index_cast %parallel_loop3A_93 : i32 to index
        %parallel_loop3A_99 = tpu.vector_load %arg8[%parallel_loop3A_98] {strides = array<i32>} : memref<31264xf32, #tpu.memory_space<vmem>>, vector<16xf32>,
        tpu.vector_store %arg8[%parallel_loop3A_98], %parallel_loop3A_97 {strides = array<i32>} : memref<31264xf32, #tpu.memory_space<vmem>>, vector<16xf32>,
      } {sc.loop_unroll_factor = 8 : i64, sc.parallel_access}
      %add3A_68 = arith.constant 15408 : i32
      %add3A_69 = arith.addi %mul3A_2, %add3A_68 : i32
      %dma_start3A_70 = arith.constant 15408 : i32
      %dma_start3A_71 = tpu.memref_slice %arg8[%dma_start3A_70] : memref<31264xf32, #tpu.memory_space<vmem>> -> memref<15856xf32, #tpu.memory_space<vmem>>
      %dma_start3A_72 = tpu.memref_slice %arg5[%add3A_69] : memref<1000000xf32, #tpu.memory_space<hbm>> -> memref<15856xf32, #tpu.memory_space<hbm>>
      %dma_start3A_73 = tpu.memref_slice %arg5[%add3A_69] : memref<1000000xf32, #tpu.memory_space<hbm>> -> memref<15856xf32, #tpu.memory_space<hbm>>
      %dma_start3A_74 = arith.constant 15408 : i32
      %dma_start3A_75 = tpu.memref_slice %arg8[%dma_start3A_74] : memref<31264xf32, #tpu.memory_space<vmem>> -> memref<15856xf32, #tpu.memory_space<vmem>>
      tpu.enqueue_dma source(%dma_start3A_75 : memref<15856xf32, #tpu.memory_space<vmem>>) target(%dma_start3A_73 : memref<15856xf32, #tpu.memory_space<hbm>>) target_semaphore(%arg13 : memref<!tpu.dma_semaphore, #tpu.memory_space<semaphore_mem>>)
      %dma_wait3A_76 = arith.constant 0 : i32
      %dma_wait3A_77 = tpu.memref_slice %arg8[%dma_wait3A_76] : memref<31264xf32, #tpu.memory_space<vmem>> -> memref<15408xf32, #tpu.memory_space<vmem>>
      %dma_wait3A_78 = tpu.memref_slice %arg5[%add3A_52] : memref<1000000xf32, #tpu.memory_space<hbm>> -> memref<15408xf32, #tpu.memory_space<hbm>>
      %dma_wait3A_79 = tpu.memref_slice %arg5[%add3A_52] : memref<1000000xf32, #tpu.memory_space<hbm>> -> memref<15408xf32, #tpu.memory_space<hbm>>
      %dma_wait3A_80 = arith.constant 0 : i32
      %dma_wait3A_81 = tpu.memref_slice %arg8[%dma_wait3A_80] : memref<31264xf32, #tpu.memory_space<vmem>> -> memref<15408xf32, #tpu.memory_space<vmem>>
      tpu.wait_dma2 semaphore(%arg13 : memref<!tpu.dma_semaphore, #tpu.memory_space<semaphore_mem>>) src(%dma_wait3A_81 : memref<15408xf32, #tpu.memory_space<vmem>>) dst(%dma_wait3A_79 : memref<15408xf32, #tpu.memory_space<hbm>>)
      %dma_wait3A_82 = arith.constant 15408 : i32
      %dma_wait3A_83 = tpu.memref_slice %arg8[%dma_wait3A_82] : memref<31264xf32, #tpu.memory_space<vmem>> -> memref<15856xf32, #tpu.memory_space<vmem>>
      %dma_wait3A_84 = tpu.memref_slice %arg5[%add3A_69] : memref<1000000xf32, #tpu.memory_space<hbm>> -> memref<15856xf32, #tpu.memory_space<hbm>>
      %dma_wait3A_85 = tpu.memref_slice %arg5[%add3A_69] : memref<1000000xf32, #tpu.memory_space<hbm>> -> memref<15856xf32, #tpu.memory_space<hbm>>
      %dma_wait3A_86 = arith.constant 15408 : i32
      %dma_wait3A_87 = tpu.memref_slice %arg8[%dma_wait3A_86] : memref<31264xf32, #tpu.memory_space<vmem>> -> memref<15856xf32, #tpu.memory_space<vmem>>
      tpu.wait_dma2 semaphore(%arg13 : memref<!tpu.dma_semaphore, #tpu.memory_space<semaphore_mem>>) src(%dma_wait3A_87 : memref<15856xf32, #tpu.memory_space<vmem>>) dst(%dma_wait3A_85 : memref<15856xf32, #tpu.memory_space<hbm>>)
    } else {
    }
    %eq3A_22 = arith.constant 31 : i32
    %eq3A_23 = arith.cmpi eq, %add3A, %eq3A_22 : i32
    %convert_element_type3A_24 = arith.extui %eq3A_23 : i1 to i32
    %cond3A_25 = arith.constant 0 : i32
    %cond3A_26 = arith.cmpi ne, %convert_element_type3A_24, %cond3A_25 : i32
    scf.if %cond3A_26 {
      %add3A_27 = arith.constant 15408 : i32
      %add3A_28 = arith.addi %mul3A_2, %add3A_27 : i32
      %dma_start3A_29 = arith.constant 15408 : i32
      %dma_start3A_30 = tpu.memref_slice %arg7[%dma_start3A_29] : memref<31264xi32, #tpu.memory_space<vmem>> -> memref<15408xi32, #tpu.memory_space<vmem>>
      %dma_start3A_31 = tpu.memref_slice %arg3[%add3A_28] : memref<1000000xi32, #tpu.memory_space<hbm>> -> memref<15408xi32, #tpu.memory_space<hbm>>
      %dma_start3A_32 = arith.constant 15408 : i32
      %dma_start3A_33 = tpu.memref_slice %arg7[%dma_start3A_32] : memref<31264xi32, #tpu.memory_space<vmem>> -> memref<15408xi32, #tpu.memory_space<vmem>>
      %dma_start3A_34 = tpu.memref_slice %arg3[%add3A_28] : memref<1000000xi32, #tpu.memory_space<hbm>> -> memref<15408xi32, #tpu.memory_space<hbm>>
      tpu.enqueue_dma source(%dma_start3A_34 : memref<15408xi32, #tpu.memory_space<hbm>>) target(%dma_start3A_33 : memref<15408xi32, #tpu.memory_space<vmem>>) target_semaphore(%arg12 : memref<!tpu.dma_semaphore, #tpu.memory_space<semaphore_mem>>)
      %dma_wait3A = arith.constant 40960 : i32
      %dma_wait3A_35 = tpu.memref_slice %arg6[%dma_wait3A] : memref<65536xf32, #tpu.memory_space<vmem>> -> memref<24576xf32, #tpu.memory_space<vmem>>
      %dma_wait3A_36 = arith.constant 40960 : i32
      %dma_wait3A_37 = tpu.memref_slice %arg2[%dma_wait3A_36] : memref<65536xf32, #tpu.memory_space<hbm>> -> memref<24576xf32, #tpu.memory_space<hbm>>
      %dma_wait3A_38 = arith.constant 40960 : i32
      %dma_wait3A_39 = tpu.memref_slice %arg6[%dma_wait3A_38] : memref<65536xf32, #tpu.memory_space<vmem>> -> memref<24576xf32, #tpu.memory_space<vmem>>
      %dma_wait3A_40 = arith.constant 40960 : i32
      %dma_wait3A_41 = tpu.memref_slice %arg2[%dma_wait3A_40] : memref<65536xf32, #tpu.memory_space<hbm>> -> memref<24576xf32, #tpu.memory_space<hbm>>
      tpu.wait_dma2 semaphore(%arg11 : memref<!tpu.dma_semaphore, #tpu.memory_space<semaphore_mem>>) src(%dma_wait3A_41 : memref<24576xf32, #tpu.memory_space<hbm>>) dst(%dma_wait3A_39 : memref<24576xf32, #tpu.memory_space<vmem>>)
      %get3A = arith.constant 0 : index
      %get3A_42 = tpu.vector_load %arg9[%get3A] {strides = array<i32>} : memref<16xf32, #tpu.memory_space<vmem>>, vector<16xf32>,
      %dma_wait3A_43 = arith.constant 0 : i32
      %dma_wait3A_44 = tpu.memref_slice %arg7[%dma_wait3A_43] : memref<31264xi32, #tpu.memory_space<vmem>> -> memref<15408xi32, #tpu.memory_space<vmem>>
      %dma_wait3A_45 = tpu.memref_slice %arg3[%mul3A_2] : memref<1000000xi32, #tpu.memory_space<hbm>> -> memref<15408xi32, #tpu.memory_space<hbm>>
      %dma_wait3A_46 = arith.constant 0 : i32
      %dma_wait3A_47 = tpu.memref_slice %arg7[%dma_wait3A_46] : memref<31264xi32, #tpu.memory_space<vmem>> -> memref<15408xi32, #tpu.memory_space<vmem>>
      %dma_wait3A_48 = tpu.memref_slice %arg3[%mul3A_2] : memref<1000000xi32, #tpu.memory_space<hbm>> -> memref<15408xi32, #tpu.memory_space<hbm>>
      tpu.wait_dma2 semaphore(%arg12 : memref<!tpu.dma_semaphore, #tpu.memory_space<semaphore_mem>>) src(%dma_wait3A_48 : memref<15408xi32, #tpu.memory_space<hbm>>) dst(%dma_wait3A_47 : memref<15408xi32, #tpu.memory_space<vmem>>)
      %parallel_loop3A = arith.constant 0 : i32
      %parallel_loop3A_49 = arith.constant 963 : i32
      %parallel_loop3A_50 = arith.constant 1 : i32
      scf.for %parallel_loop3A_88 = %parallel_loop3A to %parallel_loop3A_49 step %parallel_loop3A_50  : i32 {
        %parallel_loop3A_89 = arith.constant 16 : i32
        %parallel_loop3A_90 = arith.muli %parallel_loop3A_88, %parallel_loop3A_89 : i32
        %parallel_loop3A_91 = arith.constant 0 : i32
        %parallel_loop3A_92 = arith.addi %parallel_loop3A_91, %parallel_loop3A_90 : i32
        %parallel_loop3A_93 = tpu.assume_multiple %parallel_loop3A_92, 16 : i32
        %parallel_loop3A_94 = arith.index_cast %parallel_loop3A_93 : i32 to index
        %parallel_loop3A_95 = tpu.vector_load %arg7[%parallel_loop3A_94] {strides = array<i32>} : memref<31264xi32, #tpu.memory_space<vmem>>, vector<16xi32>,
        %parallel_loop3A_96 = tpu.vector_load_idx %arg6[%parallel_loop3A_95] : memref<65536xf32, #tpu.memory_space<vmem>>[vector<16xi32>], vector<16xf32>,
        %parallel_loop3A_97 = arith.mulf %parallel_loop3A_96, %get3A_42 : vector<16xf32>
        %parallel_loop3A_98 = arith.index_cast %parallel_loop3A_93 : i32 to index
        %parallel_loop3A_99 = tpu.vector_load %arg8[%parallel_loop3A_98] {strides = array<i32>} : memref<31264xf32, #tpu.memory_space<vmem>>, vector<16xf32>,
        tpu.vector_store %arg8[%parallel_loop3A_98], %parallel_loop3A_97 {strides = array<i32>} : memref<31264xf32, #tpu.memory_space<vmem>>, vector<16xf32>,
      } {sc.loop_unroll_factor = 8 : i64, sc.parallel_access}
      %add3A_51 = arith.constant 0 : i32
      %add3A_52 = arith.addi %mul3A_2, %add3A_51 : i32
      %dma_start3A_53 = arith.constant 0 : i32
      %dma_start3A_54 = tpu.memref_slice %arg8[%dma_start3A_53] : memref<31264xf32, #tpu.memory_space<vmem>> -> memref<15408xf32, #tpu.memory_space<vmem>>
      %dma_start3A_55 = tpu.memref_slice %arg5[%add3A_52] : memref<1000000xf32, #tpu.memory_space<hbm>> -> memref<15408xf32, #tpu.memory_space<hbm>>
      %dma_start3A_56 = tpu.memref_slice %arg5[%add3A_52] : memref<1000000xf32, #tpu.memory_space<hbm>> -> memref<15408xf32, #tpu.memory_space<hbm>>
      %dma_start3A_57 = arith.constant 0 : i32
      %dma_start3A_58 = tpu.memref_slice %arg8[%dma_start3A_57] : memref<31264xf32, #tpu.memory_space<vmem>> -> memref<15408xf32, #tpu.memory_space<vmem>>
      tpu.enqueue_dma source(%dma_start3A_58 : memref<15408xf32, #tpu.memory_space<vmem>>) target(%dma_start3A_56 : memref<15408xf32, #tpu.memory_space<hbm>>) target_semaphore(%arg13 : memref<!tpu.dma_semaphore, #tpu.memory_space<semaphore_mem>>)
      %dma_wait3A_59 = arith.constant 15408 : i32
      %dma_wait3A_60 = tpu.memref_slice %arg7[%dma_wait3A_59] : memref<31264xi32, #tpu.memory_space<vmem>> -> memref<15408xi32, #tpu.memory_space<vmem>>
      %dma_wait3A_61 = tpu.memref_slice %arg3[%add3A_28] : memref<1000000xi32, #tpu.memory_space<hbm>> -> memref<15408xi32, #tpu.memory_space<hbm>>
      %dma_wait3A_62 = arith.constant 15408 : i32
      %dma_wait3A_63 = tpu.memref_slice %arg7[%dma_wait3A_62] : memref<31264xi32, #tpu.memory_space<vmem>> -> memref<15408xi32, #tpu.memory_space<vmem>>
      %dma_wait3A_64 = tpu.memref_slice %arg3[%add3A_28] : memref<1000000xi32, #tpu.memory_space<hbm>> -> memref<15408xi32, #tpu.memory_space<hbm>>
      tpu.wait_dma2 semaphore(%arg12 : memref<!tpu.dma_semaphore, #tpu.memory_space<semaphore_mem>>) src(%dma_wait3A_64 : memref<15408xi32, #tpu.memory_space<hbm>>) dst(%dma_wait3A_63 : memref<15408xi32, #tpu.memory_space<vmem>>)
      %parallel_loop3A_65 = arith.constant 0 : i32
      %parallel_loop3A_66 = arith.constant 963 : i32
      %parallel_loop3A_67 = arith.constant 1 : i32
      scf.for %parallel_loop3A_88 = %parallel_loop3A_65 to %parallel_loop3A_66 step %parallel_loop3A_67  : i32 {
        %parallel_loop3A_89 = arith.constant 16 : i32
        %parallel_loop3A_90 = arith.muli %parallel_loop3A_88, %parallel_loop3A_89 : i32
        %parallel_loop3A_91 = arith.constant 15408 : i32
        %parallel_loop3A_92 = arith.addi %parallel_loop3A_91, %parallel_loop3A_90 : i32
        %parallel_loop3A_93 = tpu.assume_multiple %parallel_loop3A_92, 16 : i32
        %parallel_loop3A_94 = arith.index_cast %parallel_loop3A_93 : i32 to index
        %parallel_loop3A_95 = tpu.vector_load %arg7[%parallel_loop3A_94] {strides = array<i32>} : memref<31264xi32, #tpu.memory_space<vmem>>, vector<16xi32>,
        %parallel_loop3A_96 = tpu.vector_load_idx %arg6[%parallel_loop3A_95] : memref<65536xf32, #tpu.memory_space<vmem>>[vector<16xi32>], vector<16xf32>,
        %parallel_loop3A_97 = arith.mulf %parallel_loop3A_96, %get3A_42 : vector<16xf32>
        %parallel_loop3A_98 = arith.index_cast %parallel_loop3A_93 : i32 to index
        %parallel_loop3A_99 = tpu.vector_load %arg8[%parallel_loop3A_98] {strides = array<i32>} : memref<31264xf32, #tpu.memory_space<vmem>>, vector<16xf32>,
        tpu.vector_store %arg8[%parallel_loop3A_98], %parallel_loop3A_97 {strides = array<i32>} : memref<31264xf32, #tpu.memory_space<vmem>>, vector<16xf32>,
      } {sc.loop_unroll_factor = 8 : i64, sc.parallel_access}
      %add3A_68 = arith.constant 15408 : i32
      %add3A_69 = arith.addi %mul3A_2, %add3A_68 : i32
      %dma_start3A_70 = arith.constant 15408 : i32
      %dma_start3A_71 = tpu.memref_slice %arg8[%dma_start3A_70] : memref<31264xf32, #tpu.memory_space<vmem>> -> memref<15408xf32, #tpu.memory_space<vmem>>
      %dma_start3A_72 = tpu.memref_slice %arg5[%add3A_69] : memref<1000000xf32, #tpu.memory_space<hbm>> -> memref<15408xf32, #tpu.memory_space<hbm>>
      %dma_start3A_73 = tpu.memref_slice %arg5[%add3A_69] : memref<1000000xf32, #tpu.memory_space<hbm>> -> memref<15408xf32, #tpu.memory_space<hbm>>
      %dma_start3A_74 = arith.constant 15408 : i32
      %dma_start3A_75 = tpu.memref_slice %arg8[%dma_start3A_74] : memref<31264xf32, #tpu.memory_space<vmem>> -> memref<15408xf32, #tpu.memory_space<vmem>>
      tpu.enqueue_dma source(%dma_start3A_75 : memref<15408xf32, #tpu.memory_space<vmem>>) target(%dma_start3A_73 : memref<15408xf32, #tpu.memory_space<hbm>>) target_semaphore(%arg13 : memref<!tpu.dma_semaphore, #tpu.memory_space<semaphore_mem>>)
      %dma_wait3A_76 = arith.constant 0 : i32
      %dma_wait3A_77 = tpu.memref_slice %arg8[%dma_wait3A_76] : memref<31264xf32, #tpu.memory_space<vmem>> -> memref<15408xf32, #tpu.memory_space<vmem>>
      %dma_wait3A_78 = tpu.memref_slice %arg5[%add3A_52] : memref<1000000xf32, #tpu.memory_space<hbm>> -> memref<15408xf32, #tpu.memory_space<hbm>>
      %dma_wait3A_79 = tpu.memref_slice %arg5[%add3A_52] : memref<1000000xf32, #tpu.memory_space<hbm>> -> memref<15408xf32, #tpu.memory_space<hbm>>
      %dma_wait3A_80 = arith.constant 0 : i32
      %dma_wait3A_81 = tpu.memref_slice %arg8[%dma_wait3A_80] : memref<31264xf32, #tpu.memory_space<vmem>> -> memref<15408xf32, #tpu.memory_space<vmem>>
      tpu.wait_dma2 semaphore(%arg13 : memref<!tpu.dma_semaphore, #tpu.memory_space<semaphore_mem>>) src(%dma_wait3A_81 : memref<15408xf32, #tpu.memory_space<vmem>>) dst(%dma_wait3A_79 : memref<15408xf32, #tpu.memory_space<hbm>>)
      %dma_wait3A_82 = arith.constant 15408 : i32
      %dma_wait3A_83 = tpu.memref_slice %arg8[%dma_wait3A_82] : memref<31264xf32, #tpu.memory_space<vmem>> -> memref<15408xf32, #tpu.memory_space<vmem>>
      %dma_wait3A_84 = tpu.memref_slice %arg5[%add3A_69] : memref<1000000xf32, #tpu.memory_space<hbm>> -> memref<15408xf32, #tpu.memory_space<hbm>>
      %dma_wait3A_85 = tpu.memref_slice %arg5[%add3A_69] : memref<1000000xf32, #tpu.memory_space<hbm>> -> memref<15408xf32, #tpu.memory_space<hbm>>
      %dma_wait3A_86 = arith.constant 15408 : i32
      %dma_wait3A_87 = tpu.memref_slice %arg8[%dma_wait3A_86] : memref<31264xf32, #tpu.memory_space<vmem>> -> memref<15408xf32, #tpu.memory_space<vmem>>
      tpu.wait_dma2 semaphore(%arg13 : memref<!tpu.dma_semaphore, #tpu.memory_space<semaphore_mem>>) src(%dma_wait3A_87 : memref<15408xf32, #tpu.memory_space<vmem>>) dst(%dma_wait3A_85 : memref<15408xf32, #tpu.memory_space<hbm>>)
    } else {
    }
    return
  }
}

</mosaic_0001>

<sc_bundles>
// kernel: kernel.3.cloned.1.call-start
scs
__scs_entry_jumppad:
0x0: {  	(pc) =	sbr.rel $0x88, $3  }
0x1: {  	(tag) =	ssettag $0x0;
	lr =	simm.s32 $0x1  }
0x2: {  	[smem:$0x3F9E] =	sst lr;
	_ =	strace $0xD0000000  }
0x3: {  	_ = 	snop  }
0x4: {  	_ = 	snop  }
0x5: {  	_ = 	snop  }
0x6: {  	_ = 	snop  }
0x7: {  	_ = 	snop  }
__scs_overlays_trampoline_lowered:
0x8: {  	[smem:$0x3FAD] =	sst s0  }
0x9: {  	[smem:$0x3FAE] =	sst s1  }
0xa: {  	[smem:$0x3FAF] =	sst s2  }
0xb: {  	[smem:$0x3FB0] =	sst s3  }
0xc: {  	[smem:$0x3FB1] =	sst s4  }
0xd: {  	[smem:$0x3FB2] =	sst s5  }
0xe: {  	[smem:$0x3FB3] =	sst s6  }
0xf: {  	[smem:$0x3FB4] =	sst s7  }
0x10: {  	[smem:$0x3FB5] =	sst s8  }
0x11: {  	[smem:$0x3FB6] =	sst s9;
	s0 =	simm.s32 @!p0 $0x0  }
0x12: {  	s1 =	sld [smem:$0x3F9C];
	s0 =	simm.s32 @p0 $0x1  }
0x13: {  	[smem:$0x3FB7] =	sst s0;
	s0 =	simm.s32 @!p1 $0x0  }
0x14: {  	s2 =	sld [smem:$0x3F9B];
	s0 =	simm.s32 @p1 $0x1  }
0x15: {  	[smem:$0x3FB8] =	sst s0;
	s0 =	simm.s32 @!p2 $0x0  }
0x16: {  	s3 =	sld [smem:$0x3FDB];
	s0 =	simm.s32 @p2 $0x1  }
0x17: {  	s4 =	simm.s32 $0x1BF5;
	[smem:$0x3FBA] =	sst s0  }
0x18: {  	s0 =	sld [smem:$0x3F9D];
	_ =	swait.ge [sflag:s4], $0x0  }
0x19: {  	s7 =	sld [smem:$0x3F9E]  }
0x1a: {  	s8 =	sadd.s32 $0xFFFFE003, lr  }
0x1b: {  	s9 =	sadd.s32 $0xFFFFFEF7, lr;
	s5 =	simm.s32 $0xFFFFFFFF;
	p2 =	slt.u32 s8, $0xFFFFF086  }
0x1c: {  	p1 =	slt.u32 s9, $0xF7A;
	s5 =	simm.s32 @!p2 $0x0  }
0x1d: {  	s5 =	simm.s32 @p1 $0x1;
	p0 =	seq.s32 s7, s2  }
0x1e: {  	s7 =	smul.u32 @!p0 $0xF7A, s2;
	p2 =	seq.s32 @!p0 s5, $0x0  }
0x1f: {  	s9 =	smul.u32 $0xF7A, s1;
	s8 =	simm.s32 @!p0 $0x1BF5;
	p2 =	por !p2, p0  }
0x20: {  	[sflag:s8] =	ssyncset.s32 @!p0 $0xFFFFF086;
	s6 =	sadd.s32 @!p0 s3, s7;
	s7 =	simm.s32 @!p0 $0x108  }
0x21: {  	s3 =	sadd.s32 s3, s9;
	s6 =	sadd.s32 @!p0 $0x88, s6;
	s7 =	simm.s32 @p2 $0x1082  }
0x22: {  	[simem:s7], [sflag:s8] =	dma.local @!p0 [hbm:s6], $0xF7A  }
0x23: {  	s9 =	sor.u32 $0xD0000000, s2;
	s6 =	simm.s32 $0x108;
	_ =	swait.ge @!p0 [sflag:s8], $0x0  }
0x24: {  	s3 =	sadd.s32 $0x88, s3;
	s6 =	simm.s32 @!p1 $0x1082;
	[sflag:s4] =	ssyncset.s32 $0xFFFFF086  }
0x25: {  	[simem:s6], [sflag:s4] =	dma.local [hbm:s3], $0xF7A  }
0x26: {  	[smem:$0x3F9E] =	sst s1;
	(tag) =	ssettag s2;
	_ =	strace s9  }
0x27: {  	s1 =	sld [smem:$0x3FAE]  }
0x28: {  	s2 =	sld [smem:$0x3FAF]  }
0x29: {  	s4 =	sld [smem:$0x3FB1]  }
0x2a: {  	p0 =	seq.s32 s5, $0x0;
	s5 =	sld [smem:$0x3FB2]  }
0x2b: {  	s6 =	sld [smem:$0x3FB3]  }
0x2c: {  	s7 =	sld [smem:$0x3FB4]  }
0x2d: {  	s3 =	simm.s32 $0x108;
	s8 =	sld [smem:$0x3FB5]  }
0x2e: {  	s3 =	simm.s32 @!p0 $0x1082;
	s9 =	sld [smem:$0x3FB6]  }
0x2f: {  	lr =	sadd.s32 s0, s3;
	s0 =	sld [smem:$0x3FAD]  }
0x30: {  	s3 =	sld [smem:$0x3FB0]  }
0x31: {  	[smem:$0x3FB9] =	sst s10  }
0x32: {  	s10 =	sld [smem:$0x3FB7];
	_ =	sdelay $0x3  }
0x33: {  	p0 =	seq.s32 s10, $0x1;
	s10 =	sld [smem:$0x3FB9];
	_ =	sdelay $0x3  }
0x34: {  	[smem:$0x3FB9] =	sst s10  }
0x35: {  	s10 =	sld [smem:$0x3FB8];
	_ =	sdelay $0x3  }
0x36: {  	p1 =	seq.s32 s10, $0x1;
	s10 =	sld [smem:$0x3FB9];
	_ =	sdelay $0x3  }
0x37: {  	[smem:$0x3FB9] =	sst s10  }
0x38: {  	s10 =	sld [smem:$0x3FBA]  }
0x39: {  	_ = 	snop;
	(pc) =	sbr.ind lr, $3  }
0x3a: {  	_ = 	snop  }
0x3b: {  	_ = 	snop  }
0x3c: {  	p2 =	seq.s32 s10, $0x1;
	s10 =	sld [smem:$0x3FB9]  }
0x3d: {  	_ =	shalt  }
0x3e: {  	_ =	shalt  }
0x3f: {  	_ =	shalt  }
0x40: {  	_ =	shalt  }
0x41: {  	_ =	shalt  }
0x42: {  	_ =	shalt  }
0x43: {  	_ =	shalt  }
0x44: {  	_ =	shalt  }
0x45: {  	_ =	shalt  }
0x46: {  	_ =	shalt  }
0x47: {  	_ =	shalt  }
0x48: {  	_ =	shalt  }
0x49: {  	_ =	shalt  }
0x4a: {  	_ =	shalt  }
0x4b: {  	_ =	shalt  }
0x4c: {  	_ =	shalt  }
0x4d: {  	_ =	shalt  }
0x4e: {  	_ =	shalt  }
0x4f: {  	_ =	shalt  }
0x50: {  	_ =	shalt  }
0x51: {  	_ =	shalt  }
0x52: {  	_ =	shalt  }
0x53: {  	_ =	shalt  }
0x54: {  	_ =	shalt  }
0x55: {  	_ =	shalt  }
0x56: {  	_ =	shalt  }
0x57: {  	_ =	shalt  }
0x58: {  	_ =	shalt  }
0x59: {  	_ =	shalt  }
0x5a: {  	_ =	shalt  }
0x5b: {  	_ =	shalt  }
0x5c: {  	_ =	shalt  }
0x5d: {  	_ =	shalt  }
0x5e: {  	_ =	shalt  }
0x5f: {  	_ =	shalt  }
0x60: {  	_ =	shalt  }
0x61: {  	_ =	shalt  }
0x62: {  	_ =	shalt  }
0x63: {  	_ =	shalt  }
0x64: {  	_ =	shalt  }
0x65: {  	_ =	shalt  }
0x66: {  	_ =	shalt  }
0x67: {  	_ =	shalt  }
0x68: {  	_ =	shalt  }
0x69: {  	_ =	shalt  }
0x6a: {  	_ =	shalt  }
0x6b: {  	_ =	shalt  }
0x6c: {  	_ =	shalt  }
0x6d: {  	_ =	shalt  }
0x6e: {  	_ =	shalt  }
0x6f: {  	_ =	shalt  }
0x70: {  	_ =	shalt  }
0x71: {  	_ =	shalt  }
0x72: {  	_ =	shalt  }
0x73: {  	_ =	shalt  }
0x74: {  	_ =	shalt  }
0x75: {  	_ =	shalt  }
0x76: {  	_ =	shalt  }
0x77: {  	_ =	shalt  }
0x78: {  	_ =	shalt  }
0x79: {  	_ =	shalt  }
0x7a: {  	_ =	shalt  }
0x7b: {  	_ =	shalt  }
0x7c: {  	_ =	shalt  }
0x7d: {  	_ =	shalt  }
0x7e: {  	_ =	shalt  }
0x7f: {  	_ =	shalt  }
0x80: {  	_ =	shalt  }
0x81: {  	_ =	shalt  }
0x82: {  	_ =	shalt  }
0x83: {  	_ =	shalt  }
0x84: {  	_ =	shalt  }
0x85: {  	_ =	shalt  }
0x86: {  	_ =	shalt  }
0x87: {  	_ =	shalt  }
.Lfunc_end0:
.L_simem_size_0:
called_computation_lowered:
.L_overlay_start_0:
0x88: {  	s2 =	sld [smem:$0x3FD9]  }
0x89: {  	s3 =	sld [smem:$0x3FFE];
	_ =	sdelay $0x1  }
0x8a: {  	s1 =	srdreg.scid  }
0x8b: {  	s0 =	sand.u32 $0x1, s1  }
0x8c: {  	s17 =	sshll.u32 s0, $0xA;
	s2 =	sadd.s32 s3, s2  }
0x8d: {  	s2 =	sadd.s32 s2, s17  }
0x8e: {  	[smem:$0x3FC5] =	sst s2  }
0x8f: {  	_ = 	snop  }
0x90: {  	s2 =	sld [smem:$0x3FC9]  }
0x91: {  	s18 =	sld [smem:$0x3FC8]  }
0x92: {  	s4 =	sld [smem:$0x3FD0];
	(tm) =	ssettm $0x1  }
0x93: {  	s5 =	sld [smem:$0x3FFB];
	_ =	sdelay $0x3  }
0x94: {  	_ =	strace s5  }
0x95: {  	s5 =	sld [smem:$0x3FFC];
	_ =	sdelay $0x3  }
0x96: {  	_ =	strace s5  }
0x97: {  	s5 =	sld [smem:$0x3FFD];
	_ =	sdelay $0x3  }
0x98: {  	_ =	strace s5  }
0x99: {  	_ =	strace $0x8FFFFFFF  }
0x9a: {  	s19 =	sld [smem:$0x3FDB];
	_ =	sdelay $0x1  }
0x9b: {  	s6 =	simm.s32 $_scs_section_size  }
0x9c: {  	s7 =	simm.s32 $_size__tile_overlayer_lowered;
	s8 =	simm.s32 $_tile_overlayer_lowered  }
0x9d: {  	s22 =	simm.s32 $0x1BFF;
	s21 =	sshll.u32 s8, $0x1;
	s5 =	sadd.s32 s6, s19  }
0x9e: {  	s9 =	simm.s32 $0x0;
	s20 =	sshll.u32 s7, $0x1;
	s7 =	sadd.s32 s21, s5  }
0x9f: {  	[timem:s9], [sflag:s22] =	dma.local [hbm:s7], s20  }
0xa0: {  	_ =	swait.ge [sflag:s22], s20  }
0xa1: {  	s6 =	ssub.s32 $0x0, s20;
	[sflag:s22] =	ssyncset.done $0x0  }
0xa2: {  	[sflag:s22] =	ssyncadd.s32 s6;
	_ =	sdelay $0x1  }
0xa3: {  	s23 =	simm.s32 $0x1B8B  }
0xa4: {  	_ =	swait.ge [sflag:s23], $0x1  }
0xa5: {  	[sflag:s23] =	ssyncset.done $0x0  }
0xa6: {  	s25 =	simm.s32 $0x1B8E;
	s24 =	sld [smem:$0x3FFE];
	[sflag:s23] =	ssyncadd.s32 $0xFFFFFFFF  }
0xa7: {  	s26 =	simm.s32 $execute0_lowered;
	[smem:$0x3FD2] =	sst s25  }
0xa8: {  	s7 =	sshll.u32 s26, $0x1;
	_ =	strace $0x80000046;
	[dreg:$0x1] =	wrdreg $0xFFFFFFFF  }
0xa9: {  	s28 =	simm.s32 $_size_execute0_lowered;
	s5 =	sadd.s32 s5, s7;
	[dreg:$0x0] =	wrdreg $0x0  }
0xaa: {  	s7 =	sshll.u32 s28, $0x1;
	[dreg:$0x2] =	wrdreg s5  }
0xab: {  	[dreg:$0x3] =	wrdreg s7  }
0xac: {  	[dreg:$0x4] =	wrdreg $0xC0  }
0xad: {  	_ =	task [dreg:s9], $0x5FFFF  }
0xae: {  	[dreg:$0x1] =	wrdreg $0xFFFFFFFF  }
0xaf: {  	[dreg:$0x0] =	wrdreg $0x60  }
0xb0: {  	[dreg:$0x2] =	wrdreg s2  }
0xb1: {  	[dreg:$0x3] =	wrdreg s18  }
0xb2: {  	[dreg:$0x4] =	wrdreg s24  }
0xb3: {  	[dreg:$0x5] =	wrdreg s4  }
0xb4: {  	[dreg:$0x6] =	wrdreg $0x1F5800  }
0xb5: {  	[dreg:$0x7] =	wrdreg $0x9  }
0xb6: {  	_ =	task.clear_ibuf [dreg:s9], $0x8FFFF;
	_ =	strace $0x90000046  }
0xb7: {  	s29 =	simm.s32 $0x9;
	_ =	strace $0x80000048  }
0xb8: {  	_ =	swait.ge [sflag:s29], $0x1  }
0xb9: {  	[sflag:s29] =	ssyncadd.s32 $0xFFFFFFFF  }
0xba: {  	_ =	strace $0x90000048  }
0xbb: {  	_ =	sfence  }
0xbc: {  	s30 =	sld [smem:$0x0];
	_ =	sdelay $0x2  }
0xbd: {  	s31 =	sshll.u32 s1, $0xD;
	s1 =	sshrl.u32 s1, $0x2  }
0xbe: {  	s3 =	sand.u32 $0x4000, s31;
	s1 =	sadd.s32 s1, s30  }
0xbf: {  	s0 =	sor.u32 s3, s0;
	s1 =	sshll.u32 s1, $0x11  }
0xc0: {  	s0 =	sor.u32 s1, s0  }
0xc1: {  	s0 =	sadd.s32 $0x8F2B, s0  }
0xc2: {  	[sflag:s0] =	ssyncadd.remote.s32 $0x1  }
0xc3: {  	_ =	sfence.sel $0xFFFF  }
0xc4: {  	[dreg:$0x0] =	wrdreg $0xFFFFFFFF;
	(pc) =	sbr.abs _section_cstart, $3  }
0xc5: {  	[dreg:$0x1] =	wrdreg $0xFFFFFFFF  }
0xc6: {  	_ =	task.clear_ibuf [dreg:s9], $0x2FFFF;
	_ =	strace $0x9FFFFFFF  }
0xc7: {  	(tm) =	ssettm $0x7FFFFFFF  }
tec
execute0_lowered:
.L_overlay_start_1:
0x0: {  	(tag) =	ssettag $0x1  }
0x1: {  	s0 =	rddreg [dreg:$0x0]  }
0x2: {  	s10 =	rddreg [dreg:$0x1]  }
0x3: {  	s4 =	rddreg [dreg:$0x2]  }
0x4: {  	s11 =	rddreg [dreg:$0x3];
	s1 =	srdreg.scid  }
0x5: {  	s13 =	stileid.u32;
	s2 =	rddreg [dreg:$0x4];
	s3 =	simm.s32 $0x0  }
0x6: {  	s16 =	simm.s32 $0x1F500;
	s17 =	simm.s32 $0x5;
	s18 =	simm.s32 $0x13C30  }
0x7: {  	s19 =	simm.s32 $0x1;
	s20 =	simm.s32 $0x2;
	s21 =	simm.s32 $0x17A80  }
0x8: {  	s22 =	simm.s32 $0x1B6B0;
	s23 =	simm.s32 $0x3;
	s24 =	simm.s32 $0x0  }
0x9: {  	s5 =	sand.u32 $0x1, s1;
	s6 =	sshll.u32 s13, $0x1;
	s1 =	rddreg [dreg:$0x5]  }
0xa: {  	[smem:$0x7FF] =	sst s3;
	s4 =	sadd.s32 $0x400, s4;
	p0 =	sne.s32 s13, $0x0  }
0xb: {  	s13 =	simm.s32 $0x10000;
	s15 =	sor.u32 s5, s6;
	_ =	strace $0x80000047  }
0xc: {  	s5 =	ssub.s32 $0x2, s5;
	s14 =	sshrl.u32 @!p0 s2, $0x3;
	s6 =	smul.u32 $0x7A20, s15  }
.Ltmp0:
0xd: {  	s7 =	sshrl.u32 s5, $0x1;
	p1 =	seq.s32 s15, $0x1F;
	(pc) =	sbr.rel .LBB2_1-.Ltmp0, $4  }
0xe: {  	s15 =	simm.s32 $0xA000;
	s12 =	ssub.s32 s5, s7;
	s8 =	sshrl.u32 s6, $0x3  }
0xf: {  	s6 =	sadd.s32 $0x1400, s0;
	s12 =	smax.u32 s12, $0x1;
	s9 =	sadd.s32 $0x786, s8  }
0x10: {  	s5 =	sadd.s32 s10, s8;
	s8 =	sadd.s32 s11, s8;
	s7 =	sadd.s32 s10, s9  }
0x11: {  	s9 =	sadd.s32 s11, s9;
	s10 =	sadd.s32 $0x1E0C2, s10;
	s11 =	sadd.s32 $0x1E0C2, s11  }
.LBB2_20:
0x12: {  	s24 =	sadd.s32 $0x1, s24  }
0x13: {  	p2 =	sne.s32 s24, s12  }
.Ltmp1:
0x14: {  	_ = 	snop;
	(pc) =	sbr.rel @!p2 .LBB2_21-.Ltmp1, $1  }
0x15: {  	_ =	sdelay $0x3  }
.LBB2_1:
0x16: {  	[tilespmem:s13], [sflag:$0x2] =	stream.linear.gather [hbm4b:s5+s3], $0x3C30, $0x38;
	[tilespmem:$0x1FF80] =	vst v63  }
0x17: {  	s25 =	simm.s32 @!p0 $0x1C04  }
0x18: {  	[spmem:s14], [sflag:s25] =	dma.local @!p0 [hbm:s0], $0x1400  }
0x19: {  	s25 =	simm.s32 @!p0 $0x4  }
0x1a: {  	_ =	swait.ge @!p0 [sflag:s25], $0x1400  }
0x1b: {  	[sflag:s25] =	ssyncset.done @!p0 $0x0  }
0x1c: {  	[sflag:s25] =	ssyncadd.s32 @!p0 $0xFFFFEC00  }
0x1d: {  	[tilespmem:s15], [sflag:$0x1] =	stream.linear.gather [hbm4b:s6+s3], $0x6000, $0x38;
	[tilespmem:$0x1FF80] =	vst v63  }
0x1e: {  	_ = 	snop  }
0x1f: {  	[tilespmem:s16], [sflag:$0x5] =	stream.linear.gather [hbm4b:s4+s3], $0x80, $0x38;
	[tilespmem:$0x1FF80] =	vst v63  }
0x20: {  	_ =	swait.ge [sflag:s17], $0x80  }
0x21: {  	[sflag:s17] =	ssyncset.done $0x0  }
0x22: {  	[sflag:s17] =	ssyncadd.s32 $0xFFFFFF80  }
.Ltmp2:
0x23: {  	[bflag:$0x0] =	sbarrier.arrive $0xFFFF;
	(pc) =	sbr.rel @!p1 .LBB2_2-.Ltmp2, $4  }
0x24: {  	[tilespmem:s3], [sflag:$0x5] =	stream.linear.gather [spmem:s2], $0xA000, $0x38;
	[tilespmem:$0x1FF80] =	vst v63  }
0x25: {  	_ =	swait.ge [sflag:s17], $0xA000  }
0x26: {  	[sflag:s17] =	ssyncset.done $0x0  }
0x27: {  	[sflag:s17] =	ssyncadd.s32 $0xFFFF6000  }
0x28: {  	[tilespmem:s18], [sflag:$0x2] =	stream.linear.gather [hbm4b:s10+s3], $0x3C30, $0x38;
	[tilespmem:$0x1FF80] =	vst v63  }
0x29: {  	_ =	swait.ge [sflag:s19], $0x6000  }
0x2a: {  	[sflag:s19] =	ssyncset.done $0x0  }
0x2b: {  	[sflag:s19] =	ssyncadd.s32 $0xFFFFA000  }
0x2c: {  	v0 =	vld [tilespmem:$0x1F500];
	_ =	swait.ge [sflag:s20], $0x3C30  }
0x2d: {  	[sflag:s20] =	ssyncset.done $0x0  }
0x2e: {  	s25 =	simm.s32 $0x10040;
	[sflag:s20] =	ssyncadd.s32 $0xFFFFC3D0  }
0x2f: {  	v1 =	vld [tilespmem:s25+$0x30]  }
0x30: {  	v2 =	vld [tilespmem:s25+$0xFFFFFFD0]  }
0x31: {  	v3 =	vld [tilespmem:s25+$0xFFFFFFE0]  }
0x32: {  	v4 =	vld [tilespmem:s25+$0xFFFFFFF0]  }
0x33: {  	v7 =	vld [tilespmem:s25+$0x0]  }
0x34: {  	v8 =	vld [tilespmem:s25+$0x10]  }
0x35: {  	v9 =	vld [tilespmem:s25+$0x20]  }
0x36: {  	v10 =	vld [tilespmem:s25+$0xFFFFFFC0];
	s25 =	simm.s32 $0x0  }
0x37: {  	v11 =	vld.idx.msk [tilespmem:v1+s25+$0x0], $0xffff  }
0x38: {  	v12 =	vld.idx.msk [tilespmem:v2+s25+$0x0], $0xffff  }
0x39: {  	v6 =	vld.idx.msk [tilespmem:v3+s25+$0x0], $0xffff  }
0x3a: {  	v5 =	vld.idx.msk [tilespmem:v4+s25+$0x0], $0xffff  }
0x3b: {  	v4 =	vld.idx.msk [tilespmem:v7+s25+$0x0], $0xffff  }
0x3c: {  	v2 =	vld.idx.msk [tilespmem:v8+s25+$0x0], $0xffff  }
0x3d: {  	v1 =	vld.idx.msk [tilespmem:v9+s25+$0x0], $0xffff;
	v7 =	vmul.f32 v11, v0  }
0x3e: {  	s26 =	simm.s32 $0x17AC0;
	s28 =	simm.s32 $0x0;
	s29 =	simm.s32 $0x100C0;
	v3 =	vld.idx.msk [tilespmem:v10+s25+$0x0], $0xffff;
	v8 =	vmul.f32 v12, v0  }
.LBB2_12:
0x3f: {  	v9 =	vld [tilespmem:s29+$0x30];
	s28 =	sadd.s32 $0x8, s28;
	v6 =	vmul.f32 v6, v0;
	[tilespmem:s26+$0x30] =	vst v7  }
0x40: {  	v5 =	vmul.f32 v5, v0;
	v7 =	vld [tilespmem:s29+$0xFFFFFFD0];
	p2 =	slt.u32 s28, $0x3B8;
	[tilespmem:s26+$0xFFFFFFD0] =	vst v8  }
0x41: {  	v4 =	vmul.f32 v4, v0;
	v8 =	vld [tilespmem:s29+$0xFFFFFFE0];
	[tilespmem:s26+$0xFFFFFFE0] =	vst v6  }
0x42: {  	v2 =	vmul.f32 v2, v0;
	v10 =	vld [tilespmem:s29+$0xFFFFFFF0];
	[tilespmem:s26+$0xFFFFFFF0] =	vst v5  }
0x43: {  	v1 =	vmul.f32 v1, v0;
	v11 =	vld [tilespmem:s29+$0x0];
	[tilespmem:s26+$0x0] =	vst v4  }
0x44: {  	v3 =	vmul.f32 v3, v0;
	v12 =	vld [tilespmem:s29+$0x10];
	[tilespmem:s26+$0x10] =	vst v2  }
0x45: {  	v13 =	vld [tilespmem:s29+$0x20];
	[tilespmem:s26+$0x20] =	vst v1  }
0x46: {  	v14 =	vld [tilespmem:s29+$0xFFFFFFC0];
	[tilespmem:s26+$0xFFFFFFC0] =	vst v3  }
0x47: {  	v3 =	vld.idx.msk [tilespmem:v9+s25+$0x0], $0xffff  }
0x48: {  	v9 =	vld.idx.msk [tilespmem:v7+s25+$0x0], $0xffff  }
0x49: {  	v6 =	vld.idx.msk [tilespmem:v8+s25+$0x0], $0xffff  }
.Ltmp3:
0x4a: {  	v5 =	vld.idx.msk [tilespmem:v10+s25+$0x0], $0xffff;
	(pc) =	sbr.rel @p2 .LBB2_12-.Ltmp3, $4  }
0x4b: {  	v4 =	vld.idx.msk [tilespmem:v11+s25+$0x0], $0xffff  }
0x4c: {  	v2 =	vld.idx.msk [tilespmem:v12+s25+$0x0], $0xffff  }
0x4d: {  	v7 =	vmul.f32 v3, v0;
	v1 =	vld.idx.msk [tilespmem:v13+s25+$0x0], $0xffff  }
0x4e: {  	s29 =	sadd.s32 $0x80, s29;
	s26 =	sadd.s32 $0x80, s26;
	v8 =	vmul.f32 v9, v0;
	v3 =	vld.idx.msk [tilespmem:v14+s25+$0x0], $0xffff  }
0x4f: {  	v6 =	vmul.f32 v6, v0;
	[tilespmem:s26+$0x30] =	vst v7  }
0x50: {  	v5 =	vmul.f32 v5, v0;
	[tilespmem:s26+$0xFFFFFFD0] =	vst v8  }
0x51: {  	v4 =	vmul.f32 v4, v0;
	[tilespmem:s26+$0xFFFFFFE0] =	vst v6  }
0x52: {  	[tilespmem:s26+$0xFFFFFFF0] =	vst v5;
	v2 =	vmul.f32 v2, v0  }
0x53: {  	[tilespmem:s26+$0x0] =	vst v4;
	v1 =	vmul.f32 v1, v0  }
0x54: {  	v3 =	vmul.f32 v3, v0;
	[tilespmem:s26+$0x10] =	vst v2  }
0x55: {  	[tilespmem:s26+$0x20] =	vst v1  }
0x56: {  	[tilespmem:s26+$0xFFFFFFC0] =	vst v3  }
.LBB2_14:
0x57: {  	s26 =	sshra.s32 s25, $0x2  }
0x58: {  	v1 =	vld [tilespmem:s26+$0x13C00];
	_ =	sdelay $0x7  }
0x59: {  	v1 =	vld.idx.msk [tilespmem:v1+s3+$0x0], $0xffff;
	_ =	sdelay $0x1  }
0x5a: {  	p2 =	sne.s32 s25, $0x80  }
.Ltmp4:
0x5b: {  	_ = 	snop;
	(pc) =	sbr.rel @p2 .LBB2_14-.Ltmp4, $3  }
0x5c: {  	_ = 	snop  }
0x5d: {  	v1 =	vmul.f32 v1, v0;
	_ =	sdelay $0x1  }
0x5e: {  	s25 =	sadd.s32 $0x40, s25;
	[tilespmem:s26+$0x1B680] =	vst v1  }
0x5f: {  	[hbm4b:s8+s3] =	stream.linear.scatter [tilespmem:s21], [sflag:$0x3], $0x3C30, $0x38;
	[tilespmem:$0x1FF80] =	vst v63  }
0x60: {  	_ =	swait.ge [sflag:s20], $0x3C30  }
0x61: {  	[sflag:s20] =	ssyncset.done $0x0  }
0x62: {  	s25 =	simm.s32 $0x13CA0;
	[sflag:s20] =	ssyncadd.s32 $0xFFFFC3D0  }
0x63: {  	v1 =	vld [tilespmem:s25+$0x0]  }
0x64: {  	v2 =	vld [tilespmem:s25+$0xFFFFFFA0]  }
0x65: {  	v3 =	vld [tilespmem:s25+$0xFFFFFFB0]  }
0x66: {  	v4 =	vld [tilespmem:s25+$0xFFFFFFC0]  }
0x67: {  	v7 =	vld [tilespmem:s25+$0xFFFFFFD0]  }
0x68: {  	v8 =	vld [tilespmem:s25+$0xFFFFFFE0]  }
0x69: {  	v9 =	vld [tilespmem:s25+$0xFFFFFFF0]  }
0x6a: {  	v10 =	vld [tilespmem:s25+$0xFFFFFF90];
	s25 =	simm.s32 $0x0  }
0x6b: {  	v11 =	vld.idx.msk [tilespmem:v1+s25+$0x0], $0xffff  }
0x6c: {  	v12 =	vld.idx.msk [tilespmem:v2+s25+$0x0], $0xffff  }
0x6d: {  	v6 =	vld.idx.msk [tilespmem:v3+s25+$0x0], $0xffff  }
0x6e: {  	v5 =	vld.idx.msk [tilespmem:v4+s25+$0x0], $0xffff  }
0x6f: {  	v4 =	vld.idx.msk [tilespmem:v7+s25+$0x0], $0xffff  }
0x70: {  	v2 =	vld.idx.msk [tilespmem:v8+s25+$0x0], $0xffff  }
0x71: {  	v1 =	vld.idx.msk [tilespmem:v9+s25+$0x0], $0xffff;
	v7 =	vmul.f32 v11, v0  }
0x72: {  	s26 =	simm.s32 $0x1B720;
	s28 =	simm.s32 $0x0;
	s29 =	simm.s32 $0x13D20;
	v3 =	vld.idx.msk [tilespmem:v10+s25+$0x0], $0xffff;
	v8 =	vmul.f32 v12, v0  }
.LBB2_16:
0x73: {  	v9 =	vld [tilespmem:s29+$0x0];
	s28 =	sadd.s32 $0x8, s28;
	v6 =	vmul.f32 v6, v0;
	[tilespmem:s26+$0x0] =	vst v7  }
0x74: {  	v5 =	vmul.f32 v5, v0;
	v7 =	vld [tilespmem:s29+$0xFFFFFFA0];
	p2 =	slt.u32 s28, $0x3B8;
	[tilespmem:s26+$0xFFFFFFA0] =	vst v8  }
0x75: {  	v4 =	vmul.f32 v4, v0;
	v8 =	vld [tilespmem:s29+$0xFFFFFFB0];
	[tilespmem:s26+$0xFFFFFFB0] =	vst v6  }
0x76: {  	v2 =	vmul.f32 v2, v0;
	v10 =	vld [tilespmem:s29+$0xFFFFFFC0];
	[tilespmem:s26+$0xFFFFFFC0] =	vst v5  }
0x77: {  	v1 =	vmul.f32 v1, v0;
	v11 =	vld [tilespmem:s29+$0xFFFFFFD0];
	[tilespmem:s26+$0xFFFFFFD0] =	vst v4  }
0x78: {  	v3 =	vmul.f32 v3, v0;
	v12 =	vld [tilespmem:s29+$0xFFFFFFE0];
	[tilespmem:s26+$0xFFFFFFE0] =	vst v2  }
0x79: {  	v13 =	vld [tilespmem:s29+$0xFFFFFFF0];
	[tilespmem:s26+$0xFFFFFFF0] =	vst v1  }
0x7a: {  	v14 =	vld [tilespmem:s29+$0xFFFFFF90];
	[tilespmem:s26+$0xFFFFFF90] =	vst v3  }
0x7b: {  	v3 =	vld.idx.msk [tilespmem:v9+s25+$0x0], $0xffff  }
0x7c: {  	v9 =	vld.idx.msk [tilespmem:v7+s25+$0x0], $0xffff  }
0x7d: {  	v6 =	vld.idx.msk [tilespmem:v8+s25+$0x0], $0xffff  }
.Ltmp5:
0x7e: {  	v5 =	vld.idx.msk [tilespmem:v10+s25+$0x0], $0xffff;
	(pc) =	sbr.rel @p2 .LBB2_16-.Ltmp5, $4  }
0x7f: {  	v4 =	vld.idx.msk [tilespmem:v11+s25+$0x0], $0xffff  }
0x80: {  	v2 =	vld.idx.msk [tilespmem:v12+s25+$0x0], $0xffff  }
0x81: {  	v7 =	vmul.f32 v3, v0;
	v1 =	vld.idx.msk [tilespmem:v13+s25+$0x0], $0xffff  }
0x82: {  	s29 =	sadd.s32 $0x80, s29;
	s26 =	sadd.s32 $0x80, s26;
	v8 =	vmul.f32 v9, v0;
	v3 =	vld.idx.msk [tilespmem:v14+s25+$0x0], $0xffff  }
0x83: {  	v6 =	vmul.f32 v6, v0;
	[tilespmem:s26+$0x0] =	vst v7  }
0x84: {  	v5 =	vmul.f32 v5, v0;
	[tilespmem:s26+$0xFFFFFFA0] =	vst v8  }
0x85: {  	v4 =	vmul.f32 v4, v0;
	[tilespmem:s26+$0xFFFFFFB0] =	vst v6  }
0x86: {  	[tilespmem:s26+$0xFFFFFFC0] =	vst v5;
	v2 =	vmul.f32 v2, v0  }
0x87: {  	[tilespmem:s26+$0xFFFFFFD0] =	vst v4;
	v1 =	vmul.f32 v1, v0  }
0x88: {  	v3 =	vmul.f32 v3, v0;
	[tilespmem:s26+$0xFFFFFFE0] =	vst v2  }
0x89: {  	[tilespmem:s26+$0xFFFFFFF0] =	vst v1  }
0x8a: {  	[tilespmem:s26+$0xFFFFFF90] =	vst v3  }
.LBB2_18:
0x8b: {  	s26 =	sshra.s32 s25, $0x2  }
0x8c: {  	v1 =	vld [tilespmem:s26+$0x17830];
	_ =	sdelay $0x7  }
0x8d: {  	v1 =	vld.idx.msk [tilespmem:v1+s3+$0x0], $0xffff;
	_ =	sdelay $0x1  }
0x8e: {  	p2 =	sne.s32 s25, $0x80  }
.Ltmp6:
0x8f: {  	_ = 	snop;
	(pc) =	sbr.rel @p2 .LBB2_18-.Ltmp6, $3  }
0x90: {  	_ = 	snop  }
0x91: {  	v1 =	vmul.f32 v1, v0;
	_ =	sdelay $0x1  }
0x92: {  	s25 =	sadd.s32 $0x40, s25;
	[tilespmem:s26+$0x1F2B0] =	vst v1  }
0x93: {  	[hbm4b:s11+s3] =	stream.linear.scatter [tilespmem:s22], [sflag:$0x3], $0x3C30, $0x38;
	[tilespmem:$0x1FF80] =	vst v63  }
0x94: {  	_ =	swait.ge [sflag:s23], $0x3C30  }
.Ltmp7:
0x95: {  	[sflag:s23] =	ssyncset.done $0x0;
	(pc) =	sbr.rel .LBB2_20-.Ltmp7, $4  }
0x96: {  	[sflag:s23] =	ssyncadd.s32 $0xFFFFC3D0  }
0x97: {  	_ =	swait.ge [sflag:s23], $0x3C30  }
0x98: {  	[sflag:s23] =	ssyncset.done $0x0  }
0x99: {  	[sflag:s23] =	ssyncadd.s32 $0xFFFFC3D0  }
.LBB2_2:
0x9a: {  	[tilespmem:s18], [sflag:$0x2] =	stream.linear.gather [hbm4b:s7+s3], $0x3DF0, $0x38;
	[tilespmem:$0x1FF80] =	vst v63  }
0x9b: {  	_ =	swait.ge [sflag:s19], $0x6000  }
0x9c: {  	[sflag:s19] =	ssyncset.done $0x0  }
0x9d: {  	[sflag:s19] =	ssyncadd.s32 $0xFFFFA000  }
0x9e: {  	v0 =	vld [tilespmem:$0x1F500];
	_ =	swait.ge [sflag:s20], $0x3C30  }
0x9f: {  	[sflag:s20] =	ssyncset.done $0x0  }
0xa0: {  	s25 =	simm.s32 $0x10040;
	[sflag:s20] =	ssyncadd.s32 $0xFFFFC3D0  }
0xa1: {  	v1 =	vld [tilespmem:s25+$0x30]  }
0xa2: {  	v2 =	vld [tilespmem:s25+$0xFFFFFFD0]  }
0xa3: {  	v3 =	vld [tilespmem:s25+$0xFFFFFFE0]  }
0xa4: {  	v4 =	vld [tilespmem:s25+$0xFFFFFFF0]  }
0xa5: {  	v7 =	vld [tilespmem:s25+$0x0]  }
0xa6: {  	v8 =	vld [tilespmem:s25+$0x10]  }
0xa7: {  	v9 =	vld [tilespmem:s25+$0x20]  }
0xa8: {  	v10 =	vld [tilespmem:s25+$0xFFFFFFC0];
	s25 =	simm.s32 $0x0  }
0xa9: {  	v11 =	vld.idx.msk [tilespmem:v1+s25+$0x0], $0xffff  }
0xaa: {  	v12 =	vld.idx.msk [tilespmem:v2+s25+$0x0], $0xffff  }
0xab: {  	v6 =	vld.idx.msk [tilespmem:v3+s25+$0x0], $0xffff  }
0xac: {  	v5 =	vld.idx.msk [tilespmem:v4+s25+$0x0], $0xffff  }
0xad: {  	v4 =	vld.idx.msk [tilespmem:v7+s25+$0x0], $0xffff  }
0xae: {  	v2 =	vld.idx.msk [tilespmem:v8+s25+$0x0], $0xffff  }
0xaf: {  	v1 =	vld.idx.msk [tilespmem:v9+s25+$0x0], $0xffff;
	v7 =	vmul.f32 v11, v0  }
0xb0: {  	s26 =	simm.s32 $0x17AC0;
	s28 =	simm.s32 $0x0;
	s29 =	simm.s32 $0x100C0;
	v3 =	vld.idx.msk [tilespmem:v10+s25+$0x0], $0xffff;
	v8 =	vmul.f32 v12, v0  }
.LBB2_3:
0xb1: {  	v9 =	vld [tilespmem:s29+$0x30];
	s28 =	sadd.s32 $0x8, s28;
	v6 =	vmul.f32 v6, v0;
	[tilespmem:s26+$0x30] =	vst v7  }
0xb2: {  	v5 =	vmul.f32 v5, v0;
	v7 =	vld [tilespmem:s29+$0xFFFFFFD0];
	p2 =	slt.u32 s28, $0x3B8;
	[tilespmem:s26+$0xFFFFFFD0] =	vst v8  }
0xb3: {  	v4 =	vmul.f32 v4, v0;
	v8 =	vld [tilespmem:s29+$0xFFFFFFE0];
	[tilespmem:s26+$0xFFFFFFE0] =	vst v6  }
0xb4: {  	v2 =	vmul.f32 v2, v0;
	v10 =	vld [tilespmem:s29+$0xFFFFFFF0];
	[tilespmem:s26+$0xFFFFFFF0] =	vst v5  }
0xb5: {  	v1 =	vmul.f32 v1, v0;
	v11 =	vld [tilespmem:s29+$0x0];
	[tilespmem:s26+$0x0] =	vst v4  }
0xb6: {  	v3 =	vmul.f32 v3, v0;
	v12 =	vld [tilespmem:s29+$0x10];
	[tilespmem:s26+$0x10] =	vst v2  }
0xb7: {  	v13 =	vld [tilespmem:s29+$0x20];
	[tilespmem:s26+$0x20] =	vst v1  }
0xb8: {  	v14 =	vld [tilespmem:s29+$0xFFFFFFC0];
	[tilespmem:s26+$0xFFFFFFC0] =	vst v3  }
0xb9: {  	v3 =	vld.idx.msk [tilespmem:v9+s25+$0x0], $0xffff  }
0xba: {  	v9 =	vld.idx.msk [tilespmem:v7+s25+$0x0], $0xffff  }
0xbb: {  	v6 =	vld.idx.msk [tilespmem:v8+s25+$0x0], $0xffff  }
.Ltmp8:
0xbc: {  	v5 =	vld.idx.msk [tilespmem:v10+s25+$0x0], $0xffff;
	(pc) =	sbr.rel @p2 .LBB2_3-.Ltmp8, $4  }
0xbd: {  	v4 =	vld.idx.msk [tilespmem:v11+s25+$0x0], $0xffff  }
0xbe: {  	v2 =	vld.idx.msk [tilespmem:v12+s25+$0x0], $0xffff  }
0xbf: {  	v7 =	vmul.f32 v3, v0;
	v1 =	vld.idx.msk [tilespmem:v13+s25+$0x0], $0xffff  }
0xc0: {  	s29 =	sadd.s32 $0x80, s29;
	s26 =	sadd.s32 $0x80, s26;
	v8 =	vmul.f32 v9, v0;
	v3 =	vld.idx.msk [tilespmem:v14+s25+$0x0], $0xffff  }
0xc1: {  	v6 =	vmul.f32 v6, v0;
	[tilespmem:s26+$0x30] =	vst v7  }
0xc2: {  	v5 =	vmul.f32 v5, v0;
	[tilespmem:s26+$0xFFFFFFD0] =	vst v8  }
0xc3: {  	v4 =	vmul.f32 v4, v0;
	[tilespmem:s26+$0xFFFFFFE0] =	vst v6  }
0xc4: {  	[tilespmem:s26+$0xFFFFFFF0] =	vst v5;
	v2 =	vmul.f32 v2, v0  }
0xc5: {  	[tilespmem:s26+$0x0] =	vst v4;
	v1 =	vmul.f32 v1, v0  }
0xc6: {  	v3 =	vmul.f32 v3, v0;
	[tilespmem:s26+$0x10] =	vst v2  }
0xc7: {  	[tilespmem:s26+$0x20] =	vst v1  }
0xc8: {  	[tilespmem:s26+$0xFFFFFFC0] =	vst v3  }
.LBB2_5:
0xc9: {  	s26 =	sshra.s32 s25, $0x2  }
0xca: {  	v1 =	vld [tilespmem:s26+$0x13C00];
	_ =	sdelay $0x7  }
0xcb: {  	v1 =	vld.idx.msk [tilespmem:v1+s3+$0x0], $0xffff;
	_ =	sdelay $0x1  }
0xcc: {  	p2 =	sne.s32 s25, $0x80  }
.Ltmp9:
0xcd: {  	_ = 	snop;
	(pc) =	sbr.rel @p2 .LBB2_5-.Ltmp9, $3  }
0xce: {  	_ = 	snop  }
0xcf: {  	v1 =	vmul.f32 v1, v0;
	_ =	sdelay $0x1  }
0xd0: {  	s25 =	sadd.s32 $0x40, s25;
	[tilespmem:s26+$0x1B680] =	vst v1  }
0xd1: {  	[hbm4b:s8+s3] =	stream.linear.scatter [tilespmem:s21], [sflag:$0x3], $0x3C30, $0x38;
	[tilespmem:$0x1FF80] =	vst v63  }
0xd2: {  	_ =	swait.ge [sflag:s20], $0x3DF0  }
0xd3: {  	[sflag:s20] =	ssyncset.done $0x0  }
0xd4: {  	s25 =	simm.s32 $0x13CA0;
	[sflag:s20] =	ssyncadd.s32 $0xFFFFC210  }
0xd5: {  	v1 =	vld [tilespmem:s25+$0x0]  }
0xd6: {  	v2 =	vld [tilespmem:s25+$0xFFFFFFA0]  }
0xd7: {  	v3 =	vld [tilespmem:s25+$0xFFFFFFB0]  }
0xd8: {  	v4 =	vld [tilespmem:s25+$0xFFFFFFC0]  }
0xd9: {  	v7 =	vld [tilespmem:s25+$0xFFFFFFD0]  }
0xda: {  	v8 =	vld [tilespmem:s25+$0xFFFFFFE0]  }
0xdb: {  	v9 =	vld [tilespmem:s25+$0xFFFFFFF0]  }
0xdc: {  	v10 =	vld [tilespmem:s25+$0xFFFFFF90];
	s25 =	simm.s32 $0x0  }
0xdd: {  	v11 =	vld.idx.msk [tilespmem:v1+s25+$0x0], $0xffff  }
0xde: {  	v12 =	vld.idx.msk [tilespmem:v2+s25+$0x0], $0xffff  }
0xdf: {  	v6 =	vld.idx.msk [tilespmem:v3+s25+$0x0], $0xffff  }
0xe0: {  	v5 =	vld.idx.msk [tilespmem:v4+s25+$0x0], $0xffff  }
0xe1: {  	v4 =	vld.idx.msk [tilespmem:v7+s25+$0x0], $0xffff  }
0xe2: {  	v2 =	vld.idx.msk [tilespmem:v8+s25+$0x0], $0xffff  }
0xe3: {  	v1 =	vld.idx.msk [tilespmem:v9+s25+$0x0], $0xffff;
	v7 =	vmul.f32 v11, v0  }
0xe4: {  	s26 =	simm.s32 $0x1B720;
	s28 =	simm.s32 $0x0;
	s29 =	simm.s32 $0x13D20;
	v3 =	vld.idx.msk [tilespmem:v10+s25+$0x0], $0xffff;
	v8 =	vmul.f32 v12, v0  }
.LBB2_7:
0xe5: {  	v9 =	vld [tilespmem:s29+$0x0];
	s28 =	sadd.s32 $0x8, s28;
	v6 =	vmul.f32 v6, v0;
	[tilespmem:s26+$0x0] =	vst v7  }
0xe6: {  	v5 =	vmul.f32 v5, v0;
	v7 =	vld [tilespmem:s29+$0xFFFFFFA0];
	p2 =	slt.u32 s28, $0x3D0;
	[tilespmem:s26+$0xFFFFFFA0] =	vst v8  }
0xe7: {  	v4 =	vmul.f32 v4, v0;
	v8 =	vld [tilespmem:s29+$0xFFFFFFB0];
	[tilespmem:s26+$0xFFFFFFB0] =	vst v6  }
0xe8: {  	v2 =	vmul.f32 v2, v0;
	v10 =	vld [tilespmem:s29+$0xFFFFFFC0];
	[tilespmem:s26+$0xFFFFFFC0] =	vst v5  }
0xe9: {  	v1 =	vmul.f32 v1, v0;
	v11 =	vld [tilespmem:s29+$0xFFFFFFD0];
	[tilespmem:s26+$0xFFFFFFD0] =	vst v4  }
0xea: {  	v3 =	vmul.f32 v3, v0;
	v12 =	vld [tilespmem:s29+$0xFFFFFFE0];
	[tilespmem:s26+$0xFFFFFFE0] =	vst v2  }
0xeb: {  	v13 =	vld [tilespmem:s29+$0xFFFFFFF0];
	[tilespmem:s26+$0xFFFFFFF0] =	vst v1  }
0xec: {  	v14 =	vld [tilespmem:s29+$0xFFFFFF90];
	[tilespmem:s26+$0xFFFFFF90] =	vst v3  }
0xed: {  	v3 =	vld.idx.msk [tilespmem:v9+s25+$0x0], $0xffff  }
0xee: {  	v9 =	vld.idx.msk [tilespmem:v7+s25+$0x0], $0xffff  }
0xef: {  	v6 =	vld.idx.msk [tilespmem:v8+s25+$0x0], $0xffff  }
.Ltmp10:
0xf0: {  	v5 =	vld.idx.msk [tilespmem:v10+s25+$0x0], $0xffff;
	(pc) =	sbr.rel @p2 .LBB2_7-.Ltmp10, $4  }
0xf1: {  	v4 =	vld.idx.msk [tilespmem:v11+s25+$0x0], $0xffff  }
0xf2: {  	v2 =	vld.idx.msk [tilespmem:v12+s25+$0x0], $0xffff  }
0xf3: {  	v7 =	vmul.f32 v3, v0;
	v1 =	vld.idx.msk [tilespmem:v13+s25+$0x0], $0xffff  }
0xf4: {  	s29 =	sadd.s32 $0x80, s29;
	s26 =	sadd.s32 $0x80, s26;
	v8 =	vmul.f32 v9, v0;
	v3 =	vld.idx.msk [tilespmem:v14+s25+$0x0], $0xffff  }
0xf5: {  	v6 =	vmul.f32 v6, v0;
	[tilespmem:s26+$0x0] =	vst v7  }
0xf6: {  	v5 =	vmul.f32 v5, v0;
	[tilespmem:s26+$0xFFFFFFA0] =	vst v8  }
0xf7: {  	v4 =	vmul.f32 v4, v0;
	[tilespmem:s26+$0xFFFFFFB0] =	vst v6  }
0xf8: {  	[tilespmem:s26+$0xFFFFFFC0] =	vst v5;
	v2 =	vmul.f32 v2, v0  }
0xf9: {  	[tilespmem:s26+$0xFFFFFFD0] =	vst v4;
	v1 =	vmul.f32 v1, v0  }
0xfa: {  	v3 =	vmul.f32 v3, v0;
	[tilespmem:s26+$0xFFFFFFE0] =	vst v2  }
0xfb: {  	[tilespmem:s26+$0xFFFFFFF0] =	vst v1  }
0xfc: {  	[tilespmem:s26+$0xFFFFFF90] =	vst v3  }
.LBB2_9:
0xfd: {  	s26 =	sshra.s32 s25, $0x2  }
0xfe: {  	v1 =	vld [tilespmem:s26+$0x179B0];
	_ =	sdelay $0x7  }
0xff: {  	v1 =	vld.idx.msk [tilespmem:v1+s3+$0x0], $0xffff;
	_ =	sdelay $0x1  }
0x100: {  	p2 =	sne.s32 s25, $0x180  }
.Ltmp11:
0x101: {  	_ = 	snop;
	(pc) =	sbr.rel @p2 .LBB2_9-.Ltmp11, $3  }
0x102: {  	_ = 	snop  }
0x103: {  	v1 =	vmul.f32 v1, v0;
	_ =	sdelay $0x1  }
0x104: {  	s25 =	sadd.s32 $0x40, s25;
	[tilespmem:s26+$0x1F430] =	vst v1  }
0x105: {  	[hbm4b:s9+s3] =	stream.linear.scatter [tilespmem:s22], [sflag:$0x3], $0x3DF0, $0x38;
	[tilespmem:$0x1FF80] =	vst v63  }
0x106: {  	_ =	swait.ge [sflag:s23], $0x3C30  }
.Ltmp12:
0x107: {  	[sflag:s23] =	ssyncset.done $0x0;
	(pc) =	sbr.rel .LBB2_20-.Ltmp12, $4  }
0x108: {  	[sflag:s23] =	ssyncadd.s32 $0xFFFFC3D0  }
0x109: {  	_ =	swait.ge [sflag:s23], $0x3DF0  }
0x10a: {  	[sflag:s23] =	ssyncset.done $0x0  }
0x10b: {  	[sflag:s23] =	ssyncadd.s32 $0xFFFFC210  }
.LBB2_21:
0x10c: {  	_ =	sfence.sel $0x180000  }
0x10d: {  	[bflag:$0x0] =	sbarrier.arrive $0xFFFF  }
0x10e: {  	_ =	strace $0x90000047  }
0x10f: {  	s0 =	sadd.s32 @!p0 $0x100000, s1;
	[bflag:$0x2] =	sbarrier.arrive $0xFFFF  }
0x110: {  	[sflag:s0] =	ssyncadd.tile.s32 @!p0 $0x1;
	_ =	shalt  }
.Lfunc_end2:
_tile_overlayer_lowered:
.L_overlay_start_2:
0x111: {  	(tag) =	ssettag $0x2  }
0x112: {  	s0 =	rddreg [dreg:$0x0];
	s2 =	stileid.u32  }
0x113: {  	s1 =	rddreg [dreg:$0x1];
	p0 =	sne.s32 s2, $0x0  }
0x114: {  	s3 =	rddreg [dreg:$0x2];
	[bflag:$0x3] =	sbarrier.arrive $0xFFFF;
	s2 =	simm.s32 @!p0 $0x1C05  }
0x115: {  	[timem:s3], [sflag:s2] =	dma.local @!p0 [hbm:s0], s1  }
0x116: {  	s0 =	simm.s32 @!p0 $0x5  }
0x117: {  	_ =	swait.ge @!p0 [sflag:s0], s1  }
0x118: {  	s1 =	ssub.s32 @!p0 $0x0, s1;
	[sflag:s0] =	ssyncset.done @!p0 $0x0  }
0x119: {  	[sflag:s0] =	ssyncadd.s32 @!p0 s1  }
0x11a: {  	[bflag:$0x3] =	sbarrier.arrive $0xFFFF  }
0x11b: {  	_ =	shalt  }

</sc_bundles>
